<compile_context>
chip_gen: v7x
topology: tpu7x:2x2x1
jax: 0.10.2.dev20260603
libtpu: 0.0.44.dev20260713+nightly
codegen_flags: <defaults>
</compile_context>

<pallas_src>
import jax
import jax.numpy as jnp
from jax.experimental import pallas as pl
from jax.experimental.pallas import tpu as pltpu

D_MODEL = 1024
D_FF = 4096
N_EXPERTS = 8
SEQ = 2048
TOP_K = 2

TM_S = 512
TF = 1024
J = D_FF // TF
NT = (SEQ * TOP_K) // TM_S + N_EXPERTS
PAD = NT * TM_S


def _router_kernel(xb_ref, rw_ref, coef_ref):
    logits = jnp.dot(xb_ref[...], rw_ref[...],
                     preferred_element_type=jnp.float32)
    mx = jnp.max(logits, axis=-1, keepdims=True)
    ex = jnp.exp(logits - mx)
    p = ex / jnp.sum(ex, axis=-1, keepdims=True)
    lane = jax.lax.broadcasted_iota(jnp.int32, p.shape, 1)
    m1 = jnp.max(p, axis=-1, keepdims=True)
    i1 = jnp.min(jnp.where(p == m1, lane, N_EXPERTS), axis=-1, keepdims=True)
    mask1 = lane == i1
    pm = jnp.where(mask1, -1.0, p)
    m2 = jnp.max(pm, axis=-1, keepdims=True)
    i2 = jnp.min(jnp.where(pm == m2, lane, N_EXPERTS), axis=-1, keepdims=True)
    mask2 = lane == i2
    coef_ref[...] = jnp.where(mask1 | mask2, p, 0.0) / (m1 + m2)


def _moe_sparse_kernel(te_ref, tv_ref, x_ref, rt_ref, rwt_ref,
                       w1_ref, w2_ref, w3_ref, out_ref, gt_ref, xg_ref,
                       acc_ref):
    i = pl.program_id(0)
    j = pl.program_id(1)

    @pl.when((i == 0) & (j == 0))
    def _init():
        out_ref[...] = jnp.zeros_like(out_ref)

    @pl.when(tv_ref[i] == 1)
    def _work():

        @pl.when(j == 0)
        def _gather():
            rt = rt_ref[0]
            t_iota = jax.lax.broadcasted_iota(jnp.int32, (SEQ, TM_S), 0)
            gt = (t_iota == rt).astype(jnp.bfloat16)
            gt_ref[...] = gt
            xg_ref[...] = jax.lax.dot_general(
                gt, x_ref[...], (((0,), (0,)), ((), ())),
                preferred_element_type=jnp.float32).astype(jnp.bfloat16)
            acc_ref[...] = jnp.zeros_like(acc_ref)

        xg = xg_ref[...]
        gate = jnp.dot(xg, w1_ref[0], preferred_element_type=jnp.float32)
        val = jnp.dot(xg, w2_ref[0], preferred_element_type=jnp.float32)
        h = (gate * jax.nn.sigmoid(gate) * val).astype(jnp.bfloat16)
        acc_ref[...] += jnp.dot(h, w3_ref[0], preferred_element_type=jnp.float32)

        @pl.when(j == J - 1)
        def _scatter():
            w_row = rwt_ref[0].astype(jnp.bfloat16)
            gw = gt_ref[...] * w_row
            y = acc_ref[...].astype(jnp.bfloat16)
            out_ref[...] += jnp.dot(gw, y, preferred_element_type=jnp.float32)


def kernel(x, router_weight, w1, w2, w3):
    batch, seq, d = x.shape
    xb = x.reshape(seq, d).astype(jnp.bfloat16)
    rwb = router_weight.astype(jnp.bfloat16)
    w1b = w1.astype(jnp.bfloat16)
    w2b = w2.astype(jnp.bfloat16)
    w3b = w3.astype(jnp.bfloat16)

    coef = pl.pallas_call(
        _router_kernel,
        in_specs=[
            pl.BlockSpec((seq, d), lambda: (0, 0)),
            pl.BlockSpec((d, N_EXPERTS), lambda: (0, 0)),
        ],
        out_specs=pl.BlockSpec((seq, N_EXPERTS), lambda: (0, 0)),
        out_shape=jax.ShapeDtypeStruct((seq, N_EXPERTS), jnp.float32),
    )(xb, rwb)

    tkw, tki = jax.lax.top_k(coef, TOP_K)
    flat_e = tki.reshape(-1).astype(jnp.int32)
    flat_w = tkw.reshape(-1)
    order = jnp.argsort(flat_e, stable=True)
    sorted_e = flat_e[order]
    counts = jnp.sum(
        (flat_e[:, None] == jnp.arange(N_EXPERTS)[None, :]).astype(jnp.int32),
        axis=0)
    aligned = ((counts + TM_S - 1) // TM_S) * TM_S
    acum = jnp.cumsum(aligned)
    astart = acum - aligned
    gstart = jnp.cumsum(counts) - counts
    ranks = jnp.arange(seq * TOP_K, dtype=jnp.int32) - gstart[sorted_e]
    pos = astart[sorted_e] + ranks
    row_token = jnp.zeros((PAD,), jnp.int32).at[pos].set(
        (order // TOP_K).astype(jnp.int32))
    row_weight = jnp.zeros((PAD,), jnp.float32).at[pos].set(flat_w[order])
    tile_start = jnp.arange(NT, dtype=jnp.int32) * TM_S
    tile_expert = jnp.minimum(
        jnp.searchsorted(acum, tile_start, side="right").astype(jnp.int32),
        N_EXPERTS - 1)
    tile_valid = (tile_start < acum[-1]).astype(jnp.int32)

    probe = (jnp.sum(row_token) + jnp.sum(tile_expert) + jnp.sum(tile_valid)
             ).astype(jnp.float32) + jnp.sum(row_weight)
    return jnp.broadcast_to(probe, (batch, seq, d))
    out = pl.pallas_call(
        _moe_sparse_kernel,
        grid_spec=pltpu.PrefetchScalarGridSpec(
            num_scalar_prefetch=2,
            grid=(NT, J),
            in_specs=[
                pl.BlockSpec((seq, d), lambda i, j, te, tv: (0, 0)),
                pl.BlockSpec((1, 1, TM_S), lambda i, j, te, tv: (i, 0, 0)),
                pl.BlockSpec((1, 1, TM_S), lambda i, j, te, tv: (i, 0, 0)),
                pl.BlockSpec((1, D_MODEL, TF),
                             lambda i, j, te, tv:
                             (te[i], 0, jnp.where(tv[i] == 1, j, J - 1))),
                pl.BlockSpec((1, D_MODEL, TF),
                             lambda i, j, te, tv:
                             (te[i], 0, jnp.where(tv[i] == 1, j, J - 1))),
                pl.BlockSpec((1, TF, D_MODEL),
                             lambda i, j, te, tv:
                             (te[i], jnp.where(tv[i] == 1, j, J - 1), 0)),
            ],
            out_specs=pl.BlockSpec((seq, d), lambda i, j, te, tv: (0, 0)),
            scratch_shapes=[
                pltpu.VMEM((SEQ, TM_S), jnp.bfloat16),
                pltpu.VMEM((TM_S, D_MODEL), jnp.bfloat16),
                pltpu.VMEM((TM_S, D_MODEL), jnp.float32),
            ],
        ),
        out_shape=jax.ShapeDtypeStruct((seq, d), jnp.float32),
        compiler_params=pltpu.CompilerParams(
            dimension_semantics=("arbitrary", "arbitrary"),
        ),
    )(tile_expert, tile_valid, xb,
      row_token.reshape(NT, 1, TM_S), row_weight.reshape(NT, 1, TM_S),
      w1b, w2b, w3b)
    return out.reshape(batch, seq, d)

# --- scband reference (transcript-rebuilt; emitter-appended) ---
"""Pipeline reference for scband-fused-sparse-mo-e-18451179504174 (READ-ONLY COPY).

The authoritative reference and input builder live on the scoring server;
editing this copy changes nothing except your own understanding.
"""

import jax, jax.numpy as jnp
import numpy as np

D_MODEL = 1024
D_FF = 4096
N_EXPERTS = 8
TOP_K = 2


def setup_inputs(seed: int = 0) -> dict:
    key = jax.random.key(seed)
    k_x, k_r, k1, k2, k3 = jax.random.split(key, 5)
    x = jax.random.normal(k_x, (1, 2048, D_MODEL), dtype=jnp.float32)
    # router_weight: kaiming-uniform-like init over (d_model, n_experts)
    bound = 1.0 / np.sqrt(D_MODEL)
    router_weight = jax.random.uniform(k_r, (D_MODEL, N_EXPERTS), dtype=jnp.float32, minval=-bound, maxval=bound)
    # expert weights: trunc-normal-like with std = sqrt(1/3)/sqrt(fan_in), fan_in = shape[1]
    std12 = np.sqrt(1.0 / 3.0) / np.sqrt(D_MODEL)
    std3 = np.sqrt(1.0 / 3.0) / np.sqrt(D_FF)
    w1 = jnp.clip(jax.random.normal(k1, (N_EXPERTS, D_MODEL, D_FF), dtype=jnp.float32) * std12, -2 * std12, 2 * std12)
    w2 = jnp.clip(jax.random.normal(k2, (N_EXPERTS, D_MODEL, D_FF), dtype=jnp.float32) * std12, -2 * std12, 2 * std12)
    w3 = jnp.clip(jax.random.normal(k3, (N_EXPERTS, D_FF, D_MODEL), dtype=jnp.float32) * std3, -2 * std3, 2 * std3)
    return {"x": x, "router_weight": router_weight, "w1": w1, "w2": w2, "w3": w3}


def reference(x, router_weight, w1, w2, w3):
    batch, seq, d = x.shape
    x_flat = x.reshape(-1, d)
    # Router: linear + softmax + top-k
    router_logits = x_flat @ router_weight
    router_probs = jax.nn.softmax(router_logits, axis=-1)
    topk_weights, topk_indices = jax.lax.top_k(router_probs, TOP_K)
    topk_weights = topk_weights / jnp.sum(topk_weights, axis=-1, keepdims=True)
    # Expert computation: SwiGLU per expert, combined with routing weights.
    # Mathematically identical to the sorted-segment sparse dispatch in the
    # original torch module: each token's output is sum over its top-k
    # experts of weight * expert(x).
    out = jnp.zeros_like(x_flat)
    for e in range(N_EXPERTS):
        gate = jax.nn.silu(x_flat @ w1[e])
        value = x_flat @ w2[e]
        hidden = gate * value
        expert_out = hidden @ w3[e]
        coef = jnp.sum(jnp.where(topk_indices == e, topk_weights, 0.0), axis=-1)
        out = out + expert_out * coef[:, None]
    return out.reshape(batch, seq, d)

if __name__ == "__main__":
    import jax
    _d = setup_inputs()
    print(jax.jit(kernel)(*tuple(_d.values())))

</pallas_src>

<mosaic_0001>
module attributes {stable_mosaic.version = 14 : i64} {
  func.func @_router_kernel(%arg0: memref<2048x1024xbf16, #tpu.memory_space<vmem>>, %arg1: memref<1024x8xbf16, #tpu.memory_space<vmem>>, %arg2: memref<2048x8xf32, #tpu.memory_space<vmem>>) attributes {dimension_semantics = [], scalar_prefetch = 0 : i64, scratch_operands = 0 : i64, tpu.core_type = #tpu.core_type<tc>} {
    %get3A = arith.constant 0 : index
    %get3A_0 = arith.constant 0 : index
    %get3A_1 = vector.load %arg0[%get3A, %get3A_0] : memref<2048x1024xbf16, #tpu.memory_space<vmem>>, vector<2048x1024xbf16>
    %get3A_2 = arith.constant 0 : index
    %get3A_3 = arith.constant 0 : index
    %get3A_4 = vector.load %arg1[%get3A_2, %get3A_3] : memref<1024x8xbf16, #tpu.memory_space<vmem>>, vector<1024x8xbf16>
    %dot_general3A = arith.constant dense<0.000000e+00> : vector<2048x8xf32>
    %dot_general3A_5 = tpu.matmul %get3A_1, %get3A_4, %dot_general3A {dimension_numbers = #tpu.dot_dimension_numbers<[1], [0], [0], [1], [0, 0, 1, 1], [], []>, transpose_lhs_hint = false} : vector<2048x1024xbf16>, vector<1024x8xbf16>, vector<2048x8xf32> -> vector<2048x8xf32>
    %reduce_max3A = arith.constant dense<0xFF800000> : vector<2048xf32>
    %reduce_max3A_6 = vector.multi_reduction <maximumf>, %dot_general3A_5, %reduce_max3A [1] : vector<2048x8xf32> to vector<2048xf32>
    %broadcast_in_dim3A = vector.shape_cast %reduce_max3A_6 : vector<2048xf32> to vector<2048x1xf32>
    %sub3A = vector.broadcast %broadcast_in_dim3A : vector<2048x1xf32> to vector<2048x8xf32>
    %sub3A_7 = arith.subf %dot_general3A_5, %sub3A : vector<2048x8xf32>
    %exp3A = math.exp %sub3A_7 : vector<2048x8xf32>
    %reduce_sum3A = arith.constant dense<0.000000e+00> : vector<2048xf32>
    %reduce_sum3A_8 = vector.multi_reduction <add>, %exp3A, %reduce_sum3A [1] : vector<2048x8xf32> to vector<2048xf32>
    %broadcast_in_dim3A_9 = vector.shape_cast %reduce_sum3A_8 : vector<2048xf32> to vector<2048x1xf32>
    %div3A = vector.broadcast %broadcast_in_dim3A_9 : vector<2048x1xf32> to vector<2048x8xf32>
    %div3A_10 = arith.divf %exp3A, %div3A : vector<2048x8xf32>
    %iota3A = tpu.iota {dimensions = array<i32: 1>} : vector<2048x8xi32>
    %reduce_max3A_11 = arith.constant dense<0xFF800000> : vector<2048xf32>
    %reduce_max3A_12 = vector.multi_reduction <maximumf>, %div3A_10, %reduce_max3A_11 [1] : vector<2048x8xf32> to vector<2048xf32>
    %broadcast_in_dim3A_13 = vector.shape_cast %reduce_max3A_12 : vector<2048xf32> to vector<2048x1xf32>
    %eq3A = vector.broadcast %broadcast_in_dim3A_13 : vector<2048x1xf32> to vector<2048x8xf32>
    %eq3A_14 = arith.cmpf oeq, %div3A_10, %eq3A : vector<2048x8xf32>
    %jit3A = arith.constant 8 : i32
    %broadcast_in_dim3A_15 = vector.broadcast %jit3A : i32 to vector<2048x8xi32>
    %select_n3A = arith.select %eq3A_14, %iota3A, %broadcast_in_dim3A_15 : vector<2048x8xi1>, vector<2048x8xi32>
    %reduce_min3A = arith.constant dense<2147483647> : vector<2048xi32>
    %reduce_min3A_16 = vector.multi_reduction <minsi>, %select_n3A, %reduce_min3A [1] : vector<2048x8xi32> to vector<2048xi32>
    %broadcast_in_dim3A_17 = vector.shape_cast %reduce_min3A_16 : vector<2048xi32> to vector<2048x1xi32>
    %eq3A_18 = vector.broadcast %broadcast_in_dim3A_17 : vector<2048x1xi32> to vector<2048x8xi32>
    %eq3A_19 = arith.cmpi eq, %iota3A, %eq3A_18 : vector<2048x8xi32>
    %jit3A_20 = arith.constant -1.000000e+00 : f32
    %broadcast_in_dim3A_21 = vector.broadcast %jit3A_20 : f32 to vector<2048x8xf32>
    %select_n3A_22 = arith.select %eq3A_19, %broadcast_in_dim3A_21, %div3A_10 : vector<2048x8xi1>, vector<2048x8xf32>
    %reduce_max3A_23 = arith.constant dense<0xFF800000> : vector<2048xf32>
    %reduce_max3A_24 = vector.multi_reduction <maximumf>, %select_n3A_22, %reduce_max3A_23 [1] : vector<2048x8xf32> to vector<2048xf32>
    %broadcast_in_dim3A_25 = vector.shape_cast %reduce_max3A_24 : vector<2048xf32> to vector<2048x1xf32>
    %eq3A_26 = vector.broadcast %broadcast_in_dim3A_25 : vector<2048x1xf32> to vector<2048x8xf32>
    %eq3A_27 = arith.cmpf oeq, %select_n3A_22, %eq3A_26 : vector<2048x8xf32>
    %jit3A_28 = arith.constant 8 : i32
    %broadcast_in_dim3A_29 = vector.broadcast %jit3A_28 : i32 to vector<2048x8xi32>
    %select_n3A_30 = arith.select %eq3A_27, %iota3A, %broadcast_in_dim3A_29 : vector<2048x8xi1>, vector<2048x8xi32>
    %reduce_min3A_31 = arith.constant dense<2147483647> : vector<2048xi32>
    %reduce_min3A_32 = vector.multi_reduction <minsi>, %select_n3A_30, %reduce_min3A_31 [1] : vector<2048x8xi32> to vector<2048xi32>
    %broadcast_in_dim3A_33 = vector.shape_cast %reduce_min3A_32 : vector<2048xi32> to vector<2048x1xi32>
    %eq3A_34 = vector.broadcast %broadcast_in_dim3A_33 : vector<2048x1xi32> to vector<2048x8xi32>
    %eq3A_35 = arith.cmpi eq, %iota3A, %eq3A_34 : vector<2048x8xi32>
    %or3A = arith.ori %eq3A_19, %eq3A_35 : vector<2048x8xi1>
    %jit3A_36 = arith.constant 0.000000e+00 : f32
    %broadcast_in_dim3A_37 = vector.broadcast %jit3A_36 : f32 to vector<2048x8xf32>
    %select_n3A_38 = arith.select %or3A, %div3A_10, %broadcast_in_dim3A_37 : vector<2048x8xi1>, vector<2048x8xf32>
    %add3A = arith.addf %broadcast_in_dim3A_13, %broadcast_in_dim3A_25 : vector<2048x1xf32>
    %div3A_39 = vector.broadcast %add3A : vector<2048x1xf32> to vector<2048x8xf32>
    %div3A_40 = arith.divf %select_n3A_38, %div3A_39 : vector<2048x8xf32>
    %swap3A = arith.constant 0 : index
    %swap3A_41 = arith.constant 0 : index
    %swap3A_42 = vector.load %arg2[%swap3A, %swap3A_41] : memref<2048x8xf32, #tpu.memory_space<vmem>>, vector<2048x8xf32>
    tpu.vector_store %arg2[%swap3A, %swap3A_41], %div3A_40 {strides = array<i32>} : memref<2048x8xf32, #tpu.memory_space<vmem>>, vector<2048x8xf32>,
    return
  }
}

</mosaic_0001>

<sc_bundles>
// kernel: gather_offload_async_start.1
scs
__scs_entry_jumppad:
0x0: {  	(pc) =	sbr.rel $0x88, $3  }
0x1: {  	(tag) =	ssettag $0x0;
	lr =	simm.s32 $0x1  }
0x2: {  	[smem:$0x3F9F] =	sst lr;
	_ =	strace $0xD0000000  }
0x3: {  	_ = 	snop  }
0x4: {  	_ = 	snop  }
0x5: {  	_ = 	snop  }
0x6: {  	_ = 	snop  }
0x7: {  	_ = 	snop  }
__scs_overlays_trampoline_lowered:
0x8: {  	[smem:$0x3FAE] =	sst s0  }
0x9: {  	[smem:$0x3FAF] =	sst s1  }
0xa: {  	[smem:$0x3FB0] =	sst s2  }
0xb: {  	[smem:$0x3FB1] =	sst s3  }
0xc: {  	[smem:$0x3FB2] =	sst s4  }
0xd: {  	[smem:$0x3FB3] =	sst s5  }
0xe: {  	[smem:$0x3FB4] =	sst s6  }
0xf: {  	[smem:$0x3FB5] =	sst s7  }
0x10: {  	[smem:$0x3FB6] =	sst s8  }
0x11: {  	[smem:$0x3FB7] =	sst s9;
	s0 =	simm.s32 @!p0 $0x0  }
0x12: {  	s1 =	sld [smem:$0x3F9D];
	s0 =	simm.s32 @p0 $0x1  }
0x13: {  	[smem:$0x3FB8] =	sst s0;
	s0 =	simm.s32 @!p1 $0x0  }
0x14: {  	s2 =	sld [smem:$0x3F9C];
	s0 =	simm.s32 @p1 $0x1  }
0x15: {  	[smem:$0x3FB9] =	sst s0;
	s0 =	simm.s32 @!p2 $0x0  }
0x16: {  	s3 =	sld [smem:$0x3FDB];
	s0 =	simm.s32 @p2 $0x1  }
0x17: {  	s4 =	simm.s32 $0x1BF5;
	[smem:$0x3FBB] =	sst s0  }
0x18: {  	s0 =	sld [smem:$0x3F9E];
	_ =	swait.ge [sflag:s4], $0x0  }
0x19: {  	s7 =	sld [smem:$0x3F9F]  }
0x1a: {  	s8 =	sadd.s32 $0xFFFFE003, lr  }
0x1b: {  	s9 =	sadd.s32 $0xFFFFFEF7, lr;
	s5 =	simm.s32 $0xFFFFFFFF;
	p2 =	slt.u32 s8, $0xFFFFF086  }
0x1c: {  	p1 =	slt.u32 s9, $0xF7A;
	s5 =	simm.s32 @!p2 $0x0  }
0x1d: {  	s5 =	simm.s32 @p1 $0x1;
	p0 =	seq.s32 s7, s2  }
0x1e: {  	s7 =	smul.u32 @!p0 $0xF7A, s2;
	p2 =	seq.s32 @!p0 s5, $0x0  }
0x1f: {  	s9 =	smul.u32 $0xF7A, s1;
	s8 =	simm.s32 @!p0 $0x1BF5;
	p2 =	por !p2, p0  }
0x20: {  	[sflag:s8] =	ssyncset.s32 @!p0 $0xFFFFF086;
	s6 =	sadd.s32 @!p0 s3, s7;
	s7 =	simm.s32 @!p0 $0x108  }
0x21: {  	s3 =	sadd.s32 s3, s9;
	s6 =	sadd.s32 @!p0 $0x88, s6;
	s7 =	simm.s32 @p2 $0x1082  }
0x22: {  	[simem:s7], [sflag:s8] =	dma.local @!p0 [hbm:s6], $0xF7A  }
0x23: {  	s9 =	sor.u32 $0xD0000000, s2;
	s6 =	simm.s32 $0x108;
	_ =	swait.ge @!p0 [sflag:s8], $0x0  }
0x24: {  	s3 =	sadd.s32 $0x88, s3;
	s6 =	simm.s32 @!p1 $0x1082;
	[sflag:s4] =	ssyncset.s32 $0xFFFFF086  }
0x25: {  	[simem:s6], [sflag:s4] =	dma.local [hbm:s3], $0xF7A  }
0x26: {  	[smem:$0x3F9F] =	sst s1;
	(tag) =	ssettag s2;
	_ =	strace s9  }
0x27: {  	s1 =	sld [smem:$0x3FAF]  }
0x28: {  	s2 =	sld [smem:$0x3FB0]  }
0x29: {  	s4 =	sld [smem:$0x3FB2]  }
0x2a: {  	p0 =	seq.s32 s5, $0x0;
	s5 =	sld [smem:$0x3FB3]  }
0x2b: {  	s6 =	sld [smem:$0x3FB4]  }
0x2c: {  	s7 =	sld [smem:$0x3FB5]  }
0x2d: {  	s3 =	simm.s32 $0x108;
	s8 =	sld [smem:$0x3FB6]  }
0x2e: {  	s3 =	simm.s32 @!p0 $0x1082;
	s9 =	sld [smem:$0x3FB7]  }
0x2f: {  	lr =	sadd.s32 s0, s3;
	s0 =	sld [smem:$0x3FAE]  }
0x30: {  	s3 =	sld [smem:$0x3FB1]  }
0x31: {  	[smem:$0x3FBA] =	sst s10  }
0x32: {  	s10 =	sld [smem:$0x3FB8];
	_ =	sdelay $0x3  }
0x33: {  	p0 =	seq.s32 s10, $0x1;
	s10 =	sld [smem:$0x3FBA];
	_ =	sdelay $0x3  }
0x34: {  	[smem:$0x3FBA] =	sst s10  }
0x35: {  	s10 =	sld [smem:$0x3FB9];
	_ =	sdelay $0x3  }
0x36: {  	p1 =	seq.s32 s10, $0x1;
	s10 =	sld [smem:$0x3FBA];
	_ =	sdelay $0x3  }
0x37: {  	[smem:$0x3FBA] =	sst s10  }
0x38: {  	s10 =	sld [smem:$0x3FBB]  }
0x39: {  	_ = 	snop;
	(pc) =	sbr.ind lr, $3  }
0x3a: {  	_ = 	snop  }
0x3b: {  	_ = 	snop  }
0x3c: {  	p2 =	seq.s32 s10, $0x1;
	s10 =	sld [smem:$0x3FBA]  }
0x3d: {  	_ =	shalt  }
0x3e: {  	_ =	shalt  }
0x3f: {  	_ =	shalt  }
0x40: {  	_ =	shalt  }
0x41: {  	_ =	shalt  }
0x42: {  	_ =	shalt  }
0x43: {  	_ =	shalt  }
0x44: {  	_ =	shalt  }
0x45: {  	_ =	shalt  }
0x46: {  	_ =	shalt  }
0x47: {  	_ =	shalt  }
0x48: {  	_ =	shalt  }
0x49: {  	_ =	shalt  }
0x4a: {  	_ =	shalt  }
0x4b: {  	_ =	shalt  }
0x4c: {  	_ =	shalt  }
0x4d: {  	_ =	shalt  }
0x4e: {  	_ =	shalt  }
0x4f: {  	_ =	shalt  }
0x50: {  	_ =	shalt  }
0x51: {  	_ =	shalt  }
0x52: {  	_ =	shalt  }
0x53: {  	_ =	shalt  }
0x54: {  	_ =	shalt  }
0x55: {  	_ =	shalt  }
0x56: {  	_ =	shalt  }
0x57: {  	_ =	shalt  }
0x58: {  	_ =	shalt  }
0x59: {  	_ =	shalt  }
0x5a: {  	_ =	shalt  }
0x5b: {  	_ =	shalt  }
0x5c: {  	_ =	shalt  }
0x5d: {  	_ =	shalt  }
0x5e: {  	_ =	shalt  }
0x5f: {  	_ =	shalt  }
0x60: {  	_ =	shalt  }
0x61: {  	_ =	shalt  }
0x62: {  	_ =	shalt  }
0x63: {  	_ =	shalt  }
0x64: {  	_ =	shalt  }
0x65: {  	_ =	shalt  }
0x66: {  	_ =	shalt  }
0x67: {  	_ =	shalt  }
0x68: {  	_ =	shalt  }
0x69: {  	_ =	shalt  }
0x6a: {  	_ =	shalt  }
0x6b: {  	_ =	shalt  }
0x6c: {  	_ =	shalt  }
0x6d: {  	_ =	shalt  }
0x6e: {  	_ =	shalt  }
0x6f: {  	_ =	shalt  }
0x70: {  	_ =	shalt  }
0x71: {  	_ =	shalt  }
0x72: {  	_ =	shalt  }
0x73: {  	_ =	shalt  }
0x74: {  	_ =	shalt  }
0x75: {  	_ =	shalt  }
0x76: {  	_ =	shalt  }
0x77: {  	_ =	shalt  }
0x78: {  	_ =	shalt  }
0x79: {  	_ =	shalt  }
0x7a: {  	_ =	shalt  }
0x7b: {  	_ =	shalt  }
0x7c: {  	_ =	shalt  }
0x7d: {  	_ =	shalt  }
0x7e: {  	_ =	shalt  }
0x7f: {  	_ =	shalt  }
0x80: {  	_ =	shalt  }
0x81: {  	_ =	shalt  }
0x82: {  	_ =	shalt  }
0x83: {  	_ =	shalt  }
0x84: {  	_ =	shalt  }
0x85: {  	_ =	shalt  }
0x86: {  	_ =	shalt  }
0x87: {  	_ =	shalt  }
.Lfunc_end0:
.L_simem_size_0:
called_computation.1_lowered:
.L_overlay_start_0:
0x88: {  	s2 =	sld [smem:$0x3FD9]  }
0x89: {  	s3 =	sld [smem:$0x3FFE];
	_ =	sdelay $0x1  }
0x8a: {  	s1 =	srdreg.scid  }
0x8b: {  	s0 =	sand.u32 $0x1, s1  }
0x8c: {  	s17 =	sshll.u32 s0, $0xA;
	s2 =	sadd.s32 s3, s2  }
0x8d: {  	s2 =	sadd.s32 s2, s17  }
0x8e: {  	[smem:$0x3FC6] =	sst s2  }
0x8f: {  	_ = 	snop  }
0x90: {  	s2 =	sld [smem:$0x3FD0];
	(tm) =	ssettm $0x1  }
0x91: {  	s18 =	sld [smem:$0x3FFB];
	_ =	sdelay $0x3  }
0x92: {  	_ =	strace s18  }
0x93: {  	s3 =	sld [smem:$0x3FFC];
	_ =	sdelay $0x3  }
0x94: {  	_ =	strace s3  }
0x95: {  	s3 =	sld [smem:$0x3FFD];
	_ =	sdelay $0x3  }
0x96: {  	_ =	strace s3  }
0x97: {  	_ =	strace $0x8FFFFFFF  }
0x98: {  	s19 =	sld [smem:$0x3FDB];
	_ =	sdelay $0x1  }
0x99: {  	s4 =	simm.s32 $_scs_section_size  }
0x9a: {  	s5 =	simm.s32 $_size__tile_overlayer_lowered;
	s6 =	simm.s32 $_tile_overlayer_lowered  }
0x9b: {  	s22 =	simm.s32 $0x1BFF;
	s21 =	sshll.u32 s6, $0x1;
	s3 =	sadd.s32 s4, s19  }
0x9c: {  	s7 =	simm.s32 $0x0;
	s20 =	sshll.u32 s5, $0x1;
	s5 =	sadd.s32 s21, s3  }
0x9d: {  	[timem:s7], [sflag:s22] =	dma.local [hbm:s5], s20  }
0x9e: {  	_ =	swait.ge [sflag:s22], s20  }
0x9f: {  	s4 =	ssub.s32 $0x0, s20;
	[sflag:s22] =	ssyncset.done $0x0  }
0xa0: {  	[sflag:s22] =	ssyncadd.s32 s4;
	_ =	sdelay $0x1  }
0xa1: {  	s23 =	simm.s32 $0x1B8B  }
0xa2: {  	_ =	swait.ge [sflag:s23], $0x1  }
0xa3: {  	[sflag:s23] =	ssyncset.done $0x0  }
0xa4: {  	s25 =	simm.s32 $0x1B8E;
	s24 =	sld [smem:$0x3FFE];
	[sflag:s23] =	ssyncadd.s32 $0xFFFFFFFF  }
0xa5: {  	s26 =	simm.s32 $execute0_lowered;
	[smem:$0x3FD2] =	sst s25  }
0xa6: {  	s5 =	sshll.u32 s26, $0x1;
	_ =	strace $0x80000049;
	[dreg:$0x1] =	wrdreg $0xFFFFFFFF  }
0xa7: {  	s28 =	simm.s32 $_size_execute0_lowered;
	s3 =	sadd.s32 s3, s5;
	[dreg:$0x0] =	wrdreg $0x0  }
0xa8: {  	s5 =	sshll.u32 s28, $0x1;
	[dreg:$0x2] =	wrdreg s3  }
0xa9: {  	[dreg:$0x3] =	wrdreg s5  }
0xaa: {  	[dreg:$0x4] =	wrdreg $0xC0  }
0xab: {  	_ =	task [dreg:s7], $0x5FFFF  }
0xac: {  	[dreg:$0x1] =	wrdreg $0xFFFFFFFF  }
0xad: {  	[dreg:$0x0] =	wrdreg $0x60  }
0xae: {  	[dreg:$0x2] =	wrdreg s24  }
0xaf: {  	[dreg:$0x3] =	wrdreg s2  }
0xb0: {  	[dreg:$0x4] =	wrdreg $0x9  }
0xb1: {  	_ =	task.clear_ibuf [dreg:s7], $0x5FFFF;
	_ =	strace $0x90000049  }
0xb2: {  	s29 =	simm.s32 $0x9;
	_ =	strace $0x8000004B  }
0xb3: {  	_ =	swait.ge [sflag:s29], $0x1  }
0xb4: {  	[sflag:s29] =	ssyncadd.s32 $0xFFFFFFFF  }
0xb5: {  	_ =	strace $0x9000004B  }
0xb6: {  	_ =	sfence  }
0xb7: {  	s30 =	sld [smem:$0x0];
	_ =	sdelay $0x2  }
0xb8: {  	s31 =	sshll.u32 s1, $0xD;
	s1 =	sshrl.u32 s1, $0x2  }
0xb9: {  	s3 =	sand.u32 $0x4000, s31;
	s1 =	sadd.s32 s1, s30  }
0xba: {  	s0 =	sor.u32 s3, s0;
	s1 =	sshll.u32 s1, $0x11  }
0xbb: {  	s0 =	sor.u32 s1, s0  }
0xbc: {  	s0 =	sadd.s32 $0x8F2B, s0  }
0xbd: {  	[sflag:s0] =	ssyncadd.remote.s32 $0x1  }
0xbe: {  	_ =	sfence.sel $0xFFFF  }
0xbf: {  	[dreg:$0x0] =	wrdreg $0xFFFFFFFF;
	(pc) =	sbr.abs _section_cstart, $3  }
0xc0: {  	[dreg:$0x1] =	wrdreg $0xFFFFFFFF  }
0xc1: {  	_ =	task.clear_ibuf [dreg:s7], $0x2FFFF;
	_ =	strace $0x9FFFFFFF  }
0xc2: {  	(tm) =	ssettm $0x7FFFFFFF  }
0xc3: {  	_ =	shalt  }
tec
execute0_lowered:
.L_overlay_start_1:
0x0: {  	(tag) =	ssettag $0x1  }
0x1: {  	s1 =	srdreg.scid;
	s5 =	rddreg [dreg:$0x0]  }
0x2: {  	s0 =	stileid.u32;
	s2 =	rddreg [dreg:$0x1];
	s6 =	simm.s32 $0x1  }
0x3: {  	s9 =	simm.s32 $0x1;
	s10 =	simm.s32 $0x3;
	s1 =	sshll.u32 s1, $0x6  }
0x4: {  	s13 =	simm.s32 $0x0;
	s3 =	sshll.u32 s0, $0x7;
	s4 =	sand.u32 $0x40, s1  }
0x5: {  	s12 =	simm.s32 $0x0;
	s1 =	rddreg [dreg:$0x2];
	s3 =	sor.u32 s3, s4  }
0x6: {  	_ =	strace $0x8000004A;
	s4 =	sadd.s32 $0x800, s5;
	s8 =	ssub.s32 $0x1000, s3  }
.Ltmp0:
0x7: {  	s5 =	sadd.s32 $0x600, s5;
	s7 =	sand.u32 $0x7C0, s8;
	(pc) =	sbr.rel .LBB2_1-.Ltmp0, $4  }
0x8: {  	[sflag:s6] =	ssyncpa.u1 $0x0;
	s11 =	smov.u32 s3;
	p0 =	sne.s32 s7, $0x0  }
0x9: {  	s8 =	sshrl.u32 s8, $0xB;
	s7 =	simm.s32 $0x2;
	s9 =	simm.s32 @!p0 $0x0  }
0xa: {  	[sflag:s7] =	ssyncpa.u1 $0x0;
	p0 =	por $0x0, $0x0;
	s8 =	sadd.s32 s9, s8  }
0xb: {  	vm0 =	vmmov $0xffff;
	[sflag:s10] =	ssyncpa.u1 $0x0;
	s10 =	simm.s32 $0x0;
	s9 =	sadd.s32 $0x1, s8  }
.LBB2_4:
0xc: {  	v2 =	vnsel vm1, $0x0, v2  }
0xd: {  	vm1 =	vgt.s32 v0, $0x0;
	v2 =	vmin.u32 v2, $0xFFF  }
0xe: {  	v0 =	vnsel vm1, $0x0, v0  }
0xf: {  	v0 =	vmin.u32 v0, $0xFFF  }
0x10: {  	[tilespmem:s15], [sflag:$0x1] =	stream.indirect_vreg.gather [hbm4b:s4+s10], $0x1, v1, vm0, $0x4038;
	[tilespmem:$0x100] =	vst v63  }
0x11: {  	(ifvalue) =	ssetifvalue $0x7FFFFFFF  }
0x12: {  	[tilespmem:s16], [sflag:$0x1] =	stream.indirect_vreg.gather [hbm4b:s4+s10], $0x1, v2, vm0, $0x4038;
	[tilespmem:$0x100] =	vst v63  }
0x13: {  	s29 =	sadd.s32 $0x10, s16;
	(ifvalue) =	ssetifvalue $0x7FFFFFFF  }
0x14: {  	[tilespmem:s29], [sflag:$0x1] =	stream.indirect_vreg.gather [hbm4b:s4+s10], $0x1, v0, vm0, $0x4038;
	[tilespmem:$0x100] =	vst v63  }
0x15: {  	_ =	swait.ge [sflag:s6], $0x40  }
0x16: {  	s30 =	sshrl.u32 s13, $0x3;
	[sflag:s6] =	ssyncset.done $0x0  }
0x17: {  	s31 =	sand.u32 $0x7, s13;
	s15 =	sadd.s32 s2, s30;
	[sflag:s6] =	ssyncadd.s32 $0xFFFFFFC0  }
0x18: {  	[hbm4b:s15+s31] =	stream.linear.scatter [tilespmem:s14], [sflag:$0x3], $0x40, $0x38;
	[tilespmem:$0x100] =	vst v63  }
.LBB2_5:
0x19: {  	s15 =	sadd.s32 $0x800, s11  }
0x1a: {  	p2 =	sgt.s32 s15, $0xFFF  }
0x1b: {  	s15 =	smov.u32 @p2 s3;
	p2 =	sne.s32 s12, s9  }
.Ltmp1:
0x1c: {  	p1 =	slt.u32 s12, $0x2;
	(pc) =	sbr.rel @!p2 .LBB2_6-.Ltmp1, $4  }
0x1d: {  	s14 =	simm.s32 @!p1 $0x3  }
0x1e: {  	s16 =	sadd.s32 $0x1, s12;
	_ =	swait.ge @!p1 [sflag:s14], $0x40  }
0x1f: {  	s13 =	smov.u32 s11;
	p0 =	por !p0, !p0;
	[sflag:s14] =	ssyncset.done @!p1 $0x0  }
0x20: {  	s12 =	smov.u32 s16;
	s11 =	smov.u32 s15;
	[sflag:s14] =	ssyncadd.s32 @!p1 $0xFFFFFFC0  }
.LBB2_1:
0x21: {  	p1 =	sge.u32 s12, s8  }
0x22: {  	s14 =	sxor.u32 @!p1 $0xFFFFFFFF, s12  }
0x23: {  	s31 =	sadd.s32 $0xFFFFFFFF, s12;
	s15 =	sshrl.u32 @!p1 s11, $0x3;
	s14 =	sshll.u32 @!p1 s14, $0x6  }
0x24: {  	s16 =	sand.u32 @!p1 $0x7, s11;
	s15 =	sadd.s32 @!p1 s5, s15;
	s14 =	sand.u32 @!p1 $0x40, s14  }
0x25: {  	[tilespmem:s14], [sflag:$0x2] =	stream.linear.gather @!p1 [hbm4b:s15+s16], $0x40, $0x38;
	[tilespmem:$0x100] =	vst v63  }
0x26: {  	p1 =	sge.u32 s31, s8  }
.Ltmp2:
0x27: {  	_ = 	snop;
	(pc) =	sbr.rel @p1 .LBB2_5-.Ltmp2, $1  }
0x28: {  	_ =	sdelay $0x3  }
0x29: {  	s14 =	simm.s32 $0x1  }
0x2a: {  	_ =	swait.ge [sflag:s7], $0x40;
	s14 =	simm.s32 @!p0 $0x0  }
0x2b: {  	[sflag:s7] =	ssyncset.done $0x0;
	s14 =	sshll.u32 s14, $0x6  }
0x2c: {  	[sflag:s7] =	ssyncadd.s32 $0xFFFFFFC0;
	(ifvalue) =	ssetifvalue $0x7FFFFFFF;
	v0 =	vld.msk [tilespmem:s14+$0x0 ss:$0x1], $0xffff;
	_ =	sdelay $0x4  }
0x2d: {  	s15 =	sadd.s32 $0x10, s14;
	vm1 =	vgt.s32 v0, $0x0  }
0x2e: {  	v2 =	vld.msk [tilespmem:s15+$0x0 ss:$0x1], $0xffff;
	v1 =	vnsel vm1, $0x0, v0  }
0x2f: {  	v1 =	vmin.u32 v1, $0xFFF;
	_ =	sdelay $0x1  }
0x30: {  	s16 =	sshll.u32 s12, $0x6;
	s18 =	simm.s32 $0x20  }
0x31: {  	s16 =	sand.u32 $0x40, s16;
	s17 =	sadd.s32 $0x10, s15;
	s15 =	sor.u32 $0x80, s14  }
0x32: {  	s14 =	sor.u32 $0x80, s16;
	s16 =	sadd.s32 $0x10, s15;
	v0 =	vld.msk [tilespmem:s17+$0x0 ss:$0x1], $0xffff;
	vm1 =	vgt.s32 v2, $0x0;
	(ifvalue) =	ssetifvalue $0x7FFFFFFF  }
.LBB2_3:
0x33: {  	[tilespmem:s15], [sflag:$0x1] =	stream.indirect_vreg.gather [hbm4b:s4+s10], $0x1, v1, vm0, $0x4038;
	[tilespmem:$0x100] =	vst v63  }
0x34: {  	s18 =	sadd.s32 $0x10, s18  }
0x35: {  	v2 =	vnsel vm1, $0x0, v2;
	p1 =	slt.u32 s18, $0x30  }
.Ltmp3:
0x36: {  	s15 =	smov.u32 s16;
	v1 =	vmin.u32 v2, $0xFFF;
	(pc) =	sbr.rel @p1 .LBB2_3-.Ltmp3, $3  }
0x37: {  	_ =	sdelay $0x1  }
0x38: {  	s17 =	sadd.s32 $0x10, s17  }
0x39: {  	vm1 =	vgt.s32 v0, $0x0;
	s16 =	sadd.s32 $0x10, s16;
	v2 =	vmov v0;
	(ifvalue) =	ssetifvalue $0x7FFFFFFF;
	v0 =	vld.msk [tilespmem:s17+$0x0 ss:$0x1], $0xffff  }
.Ltmp4:
0x3a: {  	_ = 	snop;
	(pc) =	sbr.rel .LBB2_4-.Ltmp4, $1  }
0x3b: {  	_ =	sdelay $0x3  }
.LBB2_6:
0x3c: {  	_ =	sfence.sel $0x180000  }
0x3d: {  	s2 =	simm.s32 $0x2;
	[bflag:$0x0] =	sbarrier.arrive $0xFFFF  }
0x3e: {  	s30 =	simm.s32 $0x3;
	[sflag:s2] =	ssyncpa.u1 $0x1  }
0x3f: {  	s31 =	simm.s32 $0x1;
	[sflag:s30] =	ssyncpa.u1 $0x1  }
0x40: {  	[sflag:s31] =	ssyncpa.u1 $0x1  }
0x41: {  	p0 =	sne.s32 s0, $0x0;
	_ =	strace $0x9000004A  }
0x42: {  	s0 =	sadd.s32 @!p0 $0x100000, s1;
	[bflag:$0x2] =	sbarrier.arrive $0xFFFF  }
0x43: {  	[sflag:s0] =	ssyncadd.tile.s32 @!p0 $0x1;
	_ =	shalt  }
.Lfunc_end2:
_tile_overlayer_lowered:
.L_overlay_start_2:
0x44: {  	(tag) =	ssettag $0x2  }
0x45: {  	s0 =	rddreg [dreg:$0x0];
	s2 =	stileid.u32  }
0x46: {  	s1 =	rddreg [dreg:$0x1];
	p0 =	sne.s32 s2, $0x0  }
0x47: {  	s3 =	rddreg [dreg:$0x2];
	[bflag:$0x3] =	sbarrier.arrive $0xFFFF;
	s2 =	simm.s32 @!p0 $0x1C01  }
0x48: {  	[timem:s3], [sflag:s2] =	dma.local @!p0 [hbm:s0], s1  }
0x49: {  	s0 =	simm.s32 @!p0 $0x1  }
0x4a: {  	_ =	swait.ge @!p0 [sflag:s0], s1  }
0x4b: {  	s1 =	ssub.s32 @!p0 $0x0, s1;
	[sflag:s0] =	ssyncset.done @!p0 $0x0  }
0x4c: {  	[sflag:s0] =	ssyncadd.s32 @!p0 s1  }
0x4d: {  	[bflag:$0x3] =	sbarrier.arrive $0xFFFF  }
0x4e: {  	_ =	shalt  }

// kernel: gather_offload_async_start
scs
__scs_entry_jumppad:
0x0: {  	(pc) =	sbr.rel $0x88, $3  }
0x1: {  	(tag) =	ssettag $0x0;
	lr =	simm.s32 $0x1  }
0x2: {  	[smem:$0x3F9F] =	sst lr;
	_ =	strace $0xD0000000  }
0x3: {  	_ = 	snop  }
0x4: {  	_ = 	snop  }
0x5: {  	_ = 	snop  }
0x6: {  	_ = 	snop  }
0x7: {  	_ = 	snop  }
__scs_overlays_trampoline_lowered:
0x8: {  	[smem:$0x3FAE] =	sst s0  }
0x9: {  	[smem:$0x3FAF] =	sst s1  }
0xa: {  	[smem:$0x3FB0] =	sst s2  }
0xb: {  	[smem:$0x3FB1] =	sst s3  }
0xc: {  	[smem:$0x3FB2] =	sst s4  }
0xd: {  	[smem:$0x3FB3] =	sst s5  }
0xe: {  	[smem:$0x3FB4] =	sst s6  }
0xf: {  	[smem:$0x3FB5] =	sst s7  }
0x10: {  	[smem:$0x3FB6] =	sst s8  }
0x11: {  	[smem:$0x3FB7] =	sst s9;
	s0 =	simm.s32 @!p0 $0x0  }
0x12: {  	s1 =	sld [smem:$0x3F9D];
	s0 =	simm.s32 @p0 $0x1  }
0x13: {  	[smem:$0x3FB8] =	sst s0;
	s0 =	simm.s32 @!p1 $0x0  }
0x14: {  	s2 =	sld [smem:$0x3F9C];
	s0 =	simm.s32 @p1 $0x1  }
0x15: {  	[smem:$0x3FB9] =	sst s0;
	s0 =	simm.s32 @!p2 $0x0  }
0x16: {  	s3 =	sld [smem:$0x3FDB];
	s0 =	simm.s32 @p2 $0x1  }
0x17: {  	s4 =	simm.s32 $0x1BF5;
	[smem:$0x3FBB] =	sst s0  }
0x18: {  	s0 =	sld [smem:$0x3F9E];
	_ =	swait.ge [sflag:s4], $0x0  }
0x19: {  	s7 =	sld [smem:$0x3F9F]  }
0x1a: {  	s8 =	sadd.s32 $0xFFFFE003, lr  }
0x1b: {  	s9 =	sadd.s32 $0xFFFFFEF7, lr;
	s5 =	simm.s32 $0xFFFFFFFF;
	p2 =	slt.u32 s8, $0xFFFFF086  }
0x1c: {  	p1 =	slt.u32 s9, $0xF7A;
	s5 =	simm.s32 @!p2 $0x0  }
0x1d: {  	s5 =	simm.s32 @p1 $0x1;
	p0 =	seq.s32 s7, s2  }
0x1e: {  	s7 =	smul.u32 @!p0 $0xF7A, s2;
	p2 =	seq.s32 @!p0 s5, $0x0  }
0x1f: {  	s9 =	smul.u32 $0xF7A, s1;
	s8 =	simm.s32 @!p0 $0x1BF5;
	p2 =	por !p2, p0  }
0x20: {  	[sflag:s8] =	ssyncset.s32 @!p0 $0xFFFFF086;
	s6 =	sadd.s32 @!p0 s3, s7;
	s7 =	simm.s32 @!p0 $0x108  }
0x21: {  	s3 =	sadd.s32 s3, s9;
	s6 =	sadd.s32 @!p0 $0x88, s6;
	s7 =	simm.s32 @p2 $0x1082  }
0x22: {  	[simem:s7], [sflag:s8] =	dma.local @!p0 [hbm:s6], $0xF7A  }
0x23: {  	s9 =	sor.u32 $0xD0000000, s2;
	s6 =	simm.s32 $0x108;
	_ =	swait.ge @!p0 [sflag:s8], $0x0  }
0x24: {  	s3 =	sadd.s32 $0x88, s3;
	s6 =	simm.s32 @!p1 $0x1082;
	[sflag:s4] =	ssyncset.s32 $0xFFFFF086  }
0x25: {  	[simem:s6], [sflag:s4] =	dma.local [hbm:s3], $0xF7A  }
0x26: {  	[smem:$0x3F9F] =	sst s1;
	(tag) =	ssettag s2;
	_ =	strace s9  }
0x27: {  	s1 =	sld [smem:$0x3FAF]  }
0x28: {  	s2 =	sld [smem:$0x3FB0]  }
0x29: {  	s4 =	sld [smem:$0x3FB2]  }
0x2a: {  	p0 =	seq.s32 s5, $0x0;
	s5 =	sld [smem:$0x3FB3]  }
0x2b: {  	s6 =	sld [smem:$0x3FB4]  }
0x2c: {  	s7 =	sld [smem:$0x3FB5]  }
0x2d: {  	s3 =	simm.s32 $0x108;
	s8 =	sld [smem:$0x3FB6]  }
0x2e: {  	s3 =	simm.s32 @!p0 $0x1082;
	s9 =	sld [smem:$0x3FB7]  }
0x2f: {  	lr =	sadd.s32 s0, s3;
	s0 =	sld [smem:$0x3FAE]  }
0x30: {  	s3 =	sld [smem:$0x3FB1]  }
0x31: {  	[smem:$0x3FBA] =	sst s10  }
0x32: {  	s10 =	sld [smem:$0x3FB8];
	_ =	sdelay $0x3  }
0x33: {  	p0 =	seq.s32 s10, $0x1;
	s10 =	sld [smem:$0x3FBA];
	_ =	sdelay $0x3  }
0x34: {  	[smem:$0x3FBA] =	sst s10  }
0x35: {  	s10 =	sld [smem:$0x3FB9];
	_ =	sdelay $0x3  }
0x36: {  	p1 =	seq.s32 s10, $0x1;
	s10 =	sld [smem:$0x3FBA];
	_ =	sdelay $0x3  }
0x37: {  	[smem:$0x3FBA] =	sst s10  }
0x38: {  	s10 =	sld [smem:$0x3FBB]  }
0x39: {  	_ = 	snop;
	(pc) =	sbr.ind lr, $3  }
0x3a: {  	_ = 	snop  }
0x3b: {  	_ = 	snop  }
0x3c: {  	p2 =	seq.s32 s10, $0x1;
	s10 =	sld [smem:$0x3FBA]  }
0x3d: {  	_ =	shalt  }
0x3e: {  	_ =	shalt  }
0x3f: {  	_ =	shalt  }
0x40: {  	_ =	shalt  }
0x41: {  	_ =	shalt  }
0x42: {  	_ =	shalt  }
0x43: {  	_ =	shalt  }
0x44: {  	_ =	shalt  }
0x45: {  	_ =	shalt  }
0x46: {  	_ =	shalt  }
0x47: {  	_ =	shalt  }
0x48: {  	_ =	shalt  }
0x49: {  	_ =	shalt  }
0x4a: {  	_ =	shalt  }
0x4b: {  	_ =	shalt  }
0x4c: {  	_ =	shalt  }
0x4d: {  	_ =	shalt  }
0x4e: {  	_ =	shalt  }
0x4f: {  	_ =	shalt  }
0x50: {  	_ =	shalt  }
0x51: {  	_ =	shalt  }
0x52: {  	_ =	shalt  }
0x53: {  	_ =	shalt  }
0x54: {  	_ =	shalt  }
0x55: {  	_ =	shalt  }
0x56: {  	_ =	shalt  }
0x57: {  	_ =	shalt  }
0x58: {  	_ =	shalt  }
0x59: {  	_ =	shalt  }
0x5a: {  	_ =	shalt  }
0x5b: {  	_ =	shalt  }
0x5c: {  	_ =	shalt  }
0x5d: {  	_ =	shalt  }
0x5e: {  	_ =	shalt  }
0x5f: {  	_ =	shalt  }
0x60: {  	_ =	shalt  }
0x61: {  	_ =	shalt  }
0x62: {  	_ =	shalt  }
0x63: {  	_ =	shalt  }
0x64: {  	_ =	shalt  }
0x65: {  	_ =	shalt  }
0x66: {  	_ =	shalt  }
0x67: {  	_ =	shalt  }
0x68: {  	_ =	shalt  }
0x69: {  	_ =	shalt  }
0x6a: {  	_ =	shalt  }
0x6b: {  	_ =	shalt  }
0x6c: {  	_ =	shalt  }
0x6d: {  	_ =	shalt  }
0x6e: {  	_ =	shalt  }
0x6f: {  	_ =	shalt  }
0x70: {  	_ =	shalt  }
0x71: {  	_ =	shalt  }
0x72: {  	_ =	shalt  }
0x73: {  	_ =	shalt  }
0x74: {  	_ =	shalt  }
0x75: {  	_ =	shalt  }
0x76: {  	_ =	shalt  }
0x77: {  	_ =	shalt  }
0x78: {  	_ =	shalt  }
0x79: {  	_ =	shalt  }
0x7a: {  	_ =	shalt  }
0x7b: {  	_ =	shalt  }
0x7c: {  	_ =	shalt  }
0x7d: {  	_ =	shalt  }
0x7e: {  	_ =	shalt  }
0x7f: {  	_ =	shalt  }
0x80: {  	_ =	shalt  }
0x81: {  	_ =	shalt  }
0x82: {  	_ =	shalt  }
0x83: {  	_ =	shalt  }
0x84: {  	_ =	shalt  }
0x85: {  	_ =	shalt  }
0x86: {  	_ =	shalt  }
0x87: {  	_ =	shalt  }
.Lfunc_end0:
.L_simem_size_0:
called_computation_lowered:
.L_overlay_start_0:
0x88: {  	s2 =	sld [smem:$0x3FD9]  }
0x89: {  	s3 =	sld [smem:$0x3FFE];
	_ =	sdelay $0x1  }
0x8a: {  	s1 =	srdreg.scid  }
0x8b: {  	s0 =	sand.u32 $0x1, s1  }
0x8c: {  	s17 =	sshll.u32 s0, $0xA;
	s2 =	sadd.s32 s3, s2  }
0x8d: {  	s2 =	sadd.s32 s2, s17  }
0x8e: {  	[smem:$0x3FC6] =	sst s2  }
0x8f: {  	_ = 	snop  }
0x90: {  	s2 =	sld [smem:$0x3FD0];
	(tm) =	ssettm $0x1  }
0x91: {  	s18 =	sld [smem:$0x3FFB];
	_ =	sdelay $0x3  }
0x92: {  	_ =	strace s18  }
0x93: {  	s3 =	sld [smem:$0x3FFC];
	_ =	sdelay $0x3  }
0x94: {  	_ =	strace s3  }
0x95: {  	s3 =	sld [smem:$0x3FFD];
	_ =	sdelay $0x3  }
0x96: {  	_ =	strace s3  }
0x97: {  	_ =	strace $0x8FFFFFFF  }
0x98: {  	s19 =	sld [smem:$0x3FDB];
	_ =	sdelay $0x1  }
0x99: {  	s4 =	simm.s32 $_scs_section_size  }
0x9a: {  	s5 =	simm.s32 $_size__tile_overlayer_lowered;
	s6 =	simm.s32 $_tile_overlayer_lowered  }
0x9b: {  	s22 =	simm.s32 $0x1BFF;
	s21 =	sshll.u32 s6, $0x1;
	s3 =	sadd.s32 s4, s19  }
0x9c: {  	s7 =	simm.s32 $0x0;
	s20 =	sshll.u32 s5, $0x1;
	s5 =	sadd.s32 s21, s3  }
0x9d: {  	[timem:s7], [sflag:s22] =	dma.local [hbm:s5], s20  }
0x9e: {  	_ =	swait.ge [sflag:s22], s20  }
0x9f: {  	s4 =	ssub.s32 $0x0, s20;
	[sflag:s22] =	ssyncset.done $0x0  }
0xa0: {  	[sflag:s22] =	ssyncadd.s32 s4;
	_ =	sdelay $0x1  }
0xa1: {  	s23 =	simm.s32 $0x1B8B  }
0xa2: {  	_ =	swait.ge [sflag:s23], $0x1  }
0xa3: {  	[sflag:s23] =	ssyncset.done $0x0  }
0xa4: {  	s25 =	simm.s32 $0x1B8E;
	s24 =	sld [smem:$0x3FFE];
	[sflag:s23] =	ssyncadd.s32 $0xFFFFFFFF  }
0xa5: {  	s26 =	simm.s32 $execute0_lowered;
	[smem:$0x3FD2] =	sst s25  }
0xa6: {  	s5 =	sshll.u32 s26, $0x1;
	_ =	strace $0x80000046;
	[dreg:$0x1] =	wrdreg $0xFFFFFFFF  }
0xa7: {  	s28 =	simm.s32 $_size_execute0_lowered;
	s3 =	sadd.s32 s3, s5;
	[dreg:$0x0] =	wrdreg $0x0  }
0xa8: {  	s5 =	sshll.u32 s28, $0x1;
	[dreg:$0x2] =	wrdreg s3  }
0xa9: {  	[dreg:$0x3] =	wrdreg s5  }
0xaa: {  	[dreg:$0x4] =	wrdreg $0xC0  }
0xab: {  	_ =	task [dreg:s7], $0x5FFFF  }
0xac: {  	[dreg:$0x1] =	wrdreg $0xFFFFFFFF  }
0xad: {  	[dreg:$0x0] =	wrdreg $0x60  }
0xae: {  	[dreg:$0x2] =	wrdreg s2  }
0xaf: {  	[dreg:$0x3] =	wrdreg s24  }
0xb0: {  	[dreg:$0x4] =	wrdreg $0x9  }
0xb1: {  	_ =	task.clear_ibuf [dreg:s7], $0x5FFFF;
	_ =	strace $0x90000046  }
0xb2: {  	s29 =	simm.s32 $0x9;
	_ =	strace $0x80000048  }
0xb3: {  	_ =	swait.ge [sflag:s29], $0x1  }
0xb4: {  	[sflag:s29] =	ssyncadd.s32 $0xFFFFFFFF  }
0xb5: {  	_ =	strace $0x90000048  }
0xb6: {  	_ =	sfence  }
0xb7: {  	s30 =	sld [smem:$0x0];
	_ =	sdelay $0x2  }
0xb8: {  	s31 =	sshll.u32 s1, $0xD;
	s1 =	sshrl.u32 s1, $0x2  }
0xb9: {  	s3 =	sand.u32 $0x4000, s31;
	s1 =	sadd.s32 s1, s30  }
0xba: {  	s0 =	sor.u32 s3, s0;
	s1 =	sshll.u32 s1, $0x11  }
0xbb: {  	s0 =	sor.u32 s1, s0  }
0xbc: {  	s0 =	sadd.s32 $0x8F2B, s0  }
0xbd: {  	[sflag:s0] =	ssyncadd.remote.s32 $0x1  }
0xbe: {  	_ =	sfence.sel $0xFFFF  }
0xbf: {  	[dreg:$0x0] =	wrdreg $0xFFFFFFFF;
	(pc) =	sbr.abs _section_cstart, $3  }
0xc0: {  	[dreg:$0x1] =	wrdreg $0xFFFFFFFF  }
0xc1: {  	_ =	task.clear_ibuf [dreg:s7], $0x2FFFF;
	_ =	strace $0x9FFFFFFF  }
0xc2: {  	(tm) =	ssettm $0x7FFFFFFF  }
0xc3: {  	_ =	shalt  }
tec
execute0_lowered:
.L_overlay_start_1:
0x0: {  	(tag) =	ssettag $0x1  }
0x1: {  	s1 =	srdreg.scid;
	s2 =	rddreg [dreg:$0x0]  }
0x2: {  	s0 =	stileid.u32;
	s5 =	rddreg [dreg:$0x1];
	s6 =	simm.s32 $0x1  }
0x3: {  	s9 =	simm.s32 $0x1;
	s10 =	simm.s32 $0x3;
	s1 =	sshll.u32 s1, $0x6  }
0x4: {  	s13 =	simm.s32 $0x0;
	s3 =	sshll.u32 s0, $0x7;
	s4 =	sand.u32 $0x40, s1  }
0x5: {  	s12 =	simm.s32 $0x0;
	s1 =	rddreg [dreg:$0x2];
	s3 =	sor.u32 s3, s4  }
0x6: {  	_ =	strace $0x80000047;
	s4 =	sadd.s32 $0x600, s5;
	s8 =	ssub.s32 $0x1000, s3  }
.Ltmp0:
0x7: {  	s5 =	sadd.s32 $0xA00, s5;
	s7 =	sand.u32 $0x7C0, s8;
	(pc) =	sbr.rel .LBB2_1-.Ltmp0, $4  }
0x8: {  	[sflag:s6] =	ssyncpa.u1 $0x0;
	s11 =	smov.u32 s3;
	p0 =	sne.s32 s7, $0x0  }
0x9: {  	s8 =	sshrl.u32 s8, $0xB;
	s7 =	simm.s32 $0x2;
	s9 =	simm.s32 @!p0 $0x0  }
0xa: {  	[sflag:s7] =	ssyncpa.u1 $0x0;
	p0 =	por $0x0, $0x0;
	s8 =	sadd.s32 s9, s8  }
0xb: {  	vm0 =	vmmov $0xffff;
	[sflag:s10] =	ssyncpa.u1 $0x0;
	s10 =	simm.s32 $0x0;
	s9 =	sadd.s32 $0x1, s8  }
.LBB2_4:
0xc: {  	v2 =	vnsel vm1, $0x0, v2  }
0xd: {  	vm1 =	vgt.s32 v0, $0x0;
	v2 =	vmin.u32 v2, $0xFFF  }
0xe: {  	v0 =	vnsel vm1, $0x0, v0  }
0xf: {  	v0 =	vmin.u32 v0, $0xFFF  }
0x10: {  	[tilespmem:s15], [sflag:$0x1] =	stream.indirect_vreg.gather [hbm4b:s2+s10], $0x1, v1, vm0, $0x4038;
	[tilespmem:$0x100] =	vst v63  }
0x11: {  	(ifvalue) =	ssetifvalue $0x7FFFFFFF  }
0x12: {  	[tilespmem:s16], [sflag:$0x1] =	stream.indirect_vreg.gather [hbm4b:s2+s10], $0x1, v2, vm0, $0x4038;
	[tilespmem:$0x100] =	vst v63  }
0x13: {  	s29 =	sadd.s32 $0x10, s16;
	(ifvalue) =	ssetifvalue $0x7FFFFFFF  }
0x14: {  	[tilespmem:s29], [sflag:$0x1] =	stream.indirect_vreg.gather [hbm4b:s2+s10], $0x1, v0, vm0, $0x4038;
	[tilespmem:$0x100] =	vst v63  }
0x15: {  	_ =	swait.ge [sflag:s6], $0x40  }
0x16: {  	s30 =	sshrl.u32 s13, $0x3;
	[sflag:s6] =	ssyncset.done $0x0  }
0x17: {  	s31 =	sand.u32 $0x7, s13;
	s15 =	sadd.s32 s5, s30;
	[sflag:s6] =	ssyncadd.s32 $0xFFFFFFC0  }
0x18: {  	[hbm4b:s15+s31] =	stream.linear.scatter [tilespmem:s14], [sflag:$0x3], $0x40, $0x38;
	[tilespmem:$0x100] =	vst v63  }
.LBB2_5:
0x19: {  	s15 =	sadd.s32 $0x800, s11  }
0x1a: {  	p2 =	sgt.s32 s15, $0xFFF  }
0x1b: {  	s15 =	smov.u32 @p2 s3;
	p2 =	sne.s32 s12, s9  }
.Ltmp1:
0x1c: {  	p1 =	slt.u32 s12, $0x2;
	(pc) =	sbr.rel @!p2 .LBB2_6-.Ltmp1, $4  }
0x1d: {  	s14 =	simm.s32 @!p1 $0x3  }
0x1e: {  	s16 =	sadd.s32 $0x1, s12;
	_ =	swait.ge @!p1 [sflag:s14], $0x40  }
0x1f: {  	s13 =	smov.u32 s11;
	p0 =	por !p0, !p0;
	[sflag:s14] =	ssyncset.done @!p1 $0x0  }
0x20: {  	s12 =	smov.u32 s16;
	s11 =	smov.u32 s15;
	[sflag:s14] =	ssyncadd.s32 @!p1 $0xFFFFFFC0  }
.LBB2_1:
0x21: {  	p1 =	sge.u32 s12, s8  }
0x22: {  	s14 =	sxor.u32 @!p1 $0xFFFFFFFF, s12  }
0x23: {  	s31 =	sadd.s32 $0xFFFFFFFF, s12;
	s15 =	sshrl.u32 @!p1 s11, $0x3;
	s14 =	sshll.u32 @!p1 s14, $0x6  }
0x24: {  	s16 =	sand.u32 @!p1 $0x7, s11;
	s15 =	sadd.s32 @!p1 s4, s15;
	s14 =	sand.u32 @!p1 $0x40, s14  }
0x25: {  	[tilespmem:s14], [sflag:$0x2] =	stream.linear.gather @!p1 [hbm4b:s15+s16], $0x40, $0x38;
	[tilespmem:$0x100] =	vst v63  }
0x26: {  	p1 =	sge.u32 s31, s8  }
.Ltmp2:
0x27: {  	_ = 	snop;
	(pc) =	sbr.rel @p1 .LBB2_5-.Ltmp2, $1  }
0x28: {  	_ =	sdelay $0x3  }
0x29: {  	s14 =	simm.s32 $0x1  }
0x2a: {  	_ =	swait.ge [sflag:s7], $0x40;
	s14 =	simm.s32 @!p0 $0x0  }
0x2b: {  	[sflag:s7] =	ssyncset.done $0x0;
	s14 =	sshll.u32 s14, $0x6  }
0x2c: {  	[sflag:s7] =	ssyncadd.s32 $0xFFFFFFC0;
	(ifvalue) =	ssetifvalue $0x7FFFFFFF;
	v0 =	vld.msk [tilespmem:s14+$0x0 ss:$0x1], $0xffff;
	_ =	sdelay $0x4  }
0x2d: {  	s15 =	sadd.s32 $0x10, s14;
	vm1 =	vgt.s32 v0, $0x0  }
0x2e: {  	v2 =	vld.msk [tilespmem:s15+$0x0 ss:$0x1], $0xffff;
	v1 =	vnsel vm1, $0x0, v0  }
0x2f: {  	v1 =	vmin.u32 v1, $0xFFF;
	_ =	sdelay $0x1  }
0x30: {  	s16 =	sshll.u32 s12, $0x6;
	s18 =	simm.s32 $0x20  }
0x31: {  	s16 =	sand.u32 $0x40, s16;
	s17 =	sadd.s32 $0x10, s15;
	s15 =	sor.u32 $0x80, s14  }
0x32: {  	s14 =	sor.u32 $0x80, s16;
	s16 =	sadd.s32 $0x10, s15;
	v0 =	vld.msk [tilespmem:s17+$0x0 ss:$0x1], $0xffff;
	vm1 =	vgt.s32 v2, $0x0;
	(ifvalue) =	ssetifvalue $0x7FFFFFFF  }
.LBB2_3:
0x33: {  	[tilespmem:s15], [sflag:$0x1] =	stream.indirect_vreg.gather [hbm4b:s2+s10], $0x1, v1, vm0, $0x4038;
	[tilespmem:$0x100] =	vst v63  }
0x34: {  	s18 =	sadd.s32 $0x10, s18  }
0x35: {  	v2 =	vnsel vm1, $0x0, v2;
	p1 =	slt.u32 s18, $0x30  }
.Ltmp3:
0x36: {  	s15 =	smov.u32 s16;
	v1 =	vmin.u32 v2, $0xFFF;
	(pc) =	sbr.rel @p1 .LBB2_3-.Ltmp3, $3  }
0x37: {  	_ =	sdelay $0x1  }
0x38: {  	s17 =	sadd.s32 $0x10, s17  }
0x39: {  	vm1 =	vgt.s32 v0, $0x0;
	s16 =	sadd.s32 $0x10, s16;
	v2 =	vmov v0;
	(ifvalue) =	ssetifvalue $0x7FFFFFFF;
	v0 =	vld.msk [tilespmem:s17+$0x0 ss:$0x1], $0xffff  }
.Ltmp4:
0x3a: {  	_ = 	snop;
	(pc) =	sbr.rel .LBB2_4-.Ltmp4, $1  }
0x3b: {  	_ =	sdelay $0x3  }
.LBB2_6:
0x3c: {  	_ =	sfence.sel $0x180000  }
0x3d: {  	s2 =	simm.s32 $0x2;
	[bflag:$0x0] =	sbarrier.arrive $0xFFFF  }
0x3e: {  	s30 =	simm.s32 $0x3;
	[sflag:s2] =	ssyncpa.u1 $0x1  }
0x3f: {  	s31 =	simm.s32 $0x1;
	[sflag:s30] =	ssyncpa.u1 $0x1  }
0x40: {  	[sflag:s31] =	ssyncpa.u1 $0x1  }
0x41: {  	p0 =	sne.s32 s0, $0x0;
	_ =	strace $0x90000047  }
0x42: {  	s0 =	sadd.s32 @!p0 $0x100000, s1;
	[bflag:$0x2] =	sbarrier.arrive $0xFFFF  }
0x43: {  	[sflag:s0] =	ssyncadd.tile.s32 @!p0 $0x1;
	_ =	shalt  }
.Lfunc_end2:
_tile_overlayer_lowered:
.L_overlay_start_2:
0x44: {  	(tag) =	ssettag $0x2  }
0x45: {  	s0 =	rddreg [dreg:$0x0];
	s2 =	stileid.u32  }
0x46: {  	s1 =	rddreg [dreg:$0x1];
	p0 =	sne.s32 s2, $0x0  }
0x47: {  	s3 =	rddreg [dreg:$0x2];
	[bflag:$0x3] =	sbarrier.arrive $0xFFFF;
	s2 =	simm.s32 @!p0 $0x1C01  }
0x48: {  	[timem:s3], [sflag:s2] =	dma.local @!p0 [hbm:s0], s1  }
0x49: {  	s0 =	simm.s32 @!p0 $0x1  }
0x4a: {  	_ =	swait.ge @!p0 [sflag:s0], s1  }
0x4b: {  	s1 =	ssub.s32 @!p0 $0x0, s1;
	[sflag:s0] =	ssyncset.done @!p0 $0x0  }
0x4c: {  	[sflag:s0] =	ssyncadd.s32 @!p0 s1  }
0x4d: {  	[bflag:$0x3] =	sbarrier.arrive $0xFFFF  }
0x4e: {  	_ =	shalt  }

</sc_bundles>
